<compile_context>
chip_gen: v7x
topology: tpu7x:2x2x1
jax: 0.10.2.dev20260603
libtpu: 0.0.44.dev20260713+nightly
codegen_flags: <defaults>
</compile_context>

<pallas_src>
import functools

import jax
import jax.numpy as jnp
from jax import lax
from jax.experimental import pallas as pl
from jax.experimental.pallas import tpu as pltpu
from jax.experimental.pallas import tpu_sc as plsc


@functools.lru_cache(maxsize=None)
def _eps_const_t(n, e):
    return jax.random.normal(jax.random.key(42), (n, e), dtype=jnp.float32).T


def _noisy_kernel(wpb, x_ref, wc_ref, bc_ref, eps_ref, noisy_ref):
    xb = x_ref[...]
    logits = jax.lax.dot_general(
        wc_ref[...], xb, (((1,), (1,)), ((), ())),
        preferred_element_type=jnp.float32) + bc_ref[...]
    e = eps_ref.shape[0]
    noisy = (logits[:e]
             + eps_ref[...] * jnp.logaddexp(logits[e:], 0.0))
    chunk = noisy.shape[1] // wpb
    for k in range(wpb):
        noisy_ref[k] = noisy[:, k * chunk:(k + 1) * chunk]


def _make_noisy(x, wc, bc, eps_t, nw, blk=4096):
    n, dim = x.shape
    e = eps_t.shape[0]
    chunk = n // nw
    wpb = blk // chunk
    return pl.pallas_call(
        functools.partial(_noisy_kernel, wpb),
        grid=(n // blk,),
        in_specs=[
            pl.BlockSpec((blk, dim), lambda i: (i, 0)),
            pl.BlockSpec((2 * e, dim), lambda i: (0, 0)),
            pl.BlockSpec((2 * e, 1), lambda i: (0, 0)),
            pl.BlockSpec((e, blk), lambda i: (0, i)),
        ],
        out_specs=pl.BlockSpec((wpb, e, chunk), lambda i: (i, 0, 0)),
        out_shape=jax.ShapeDtypeStruct((nw, e, chunk), jnp.float32),
    )(x, wc, bc, eps_t)


def _sc_router(noisy_w):
    nw, e, chunk = noisy_w.shape
    info = plsc.get_sparse_core_info()
    nc, ns, lanes = info.num_cores, info.num_subcores, info.num_lanes
    assert nw == nc * ns
    mesh = plsc.VectorSubcoreMesh(core_axis_name="c", subcore_axis_name="s")

    @functools.partial(
        pl.kernel,
        mesh=mesh,
        out_type=(
            jax.ShapeDtypeStruct((nw, e, chunk), jnp.float32),
            jax.ShapeDtypeStruct((nw, 2, chunk), jnp.int32),
        ),
        scratch_types=[
            pltpu.VMEM((e, chunk), jnp.float32),
            pltpu.VMEM((e, chunk), jnp.float32),
            pltpu.VMEM((2, chunk), jnp.int32),
        ],
    )
    def run(noisy_hbm, rout_hbm, idx_hbm, nbuf, rbuf, ibuf):
        wid = lax.axis_index("s") * nc + lax.axis_index("c")
        pltpu.sync_copy(noisy_hbm.at[wid], nbuf)

        def step(g, carry):
            off = g * lanes
            vs = [nbuf[ex, pl.ds(off, lanes)] for ex in range(e)]
            m0 = vs[0]
            i0 = jnp.zeros((lanes,), jnp.int32)
            for ex in range(1, e):
                take = vs[ex] > m0
                m0 = jnp.where(take, vs[ex], m0)
                i0 = jnp.where(take, ex, i0)
            m1 = jnp.full((lanes,), -jnp.inf, jnp.float32)
            i1 = jnp.zeros((lanes,), jnp.int32)
            for ex in range(e):
                take = (vs[ex] > m1) & (i0 != ex)
                m1 = jnp.where(take, vs[ex], m1)
                i1 = jnp.where(take, ex, i1)
            d = jnp.exp(m1 - m0)
            p0 = 1.0 / (1.0 + d)
            p1 = d / (1.0 + d)
            zero = jnp.zeros((lanes,), jnp.float32)
            for ex in range(e):
                rbuf[ex, pl.ds(off, lanes)] = jnp.where(
                    i0 == ex, p0, jnp.where(i1 == ex, p1, zero))
            ibuf[0, pl.ds(off, lanes)] = i0
            ibuf[1, pl.ds(off, lanes)] = i1
            return carry

        lax.fori_loop(0, chunk // lanes, step, 0)

        pltpu.sync_copy(rbuf, rout_hbm.at[wid])
        pltpu.sync_copy(ibuf, idx_hbm.at[wid])

    return run(noisy_w)


def kernel(x, W_route, b_route, W_noise, b_noise):
    n, dim = x.shape
    e = W_route.shape[0]
    eps_t = _eps_const_t(n, e)
    wc = jnp.concatenate([W_route, W_noise], axis=0)
    bc = jnp.concatenate([b_route, b_noise]).reshape(2 * e, 1)
    info = plsc.get_sparse_core_info()
    nw = info.num_cores * info.num_subcores
    noisy_w = _make_noisy(x, wc, bc, eps_t, nw)
    rout_w, idx_w = _sc_router(noisy_w)
    rout = rout_w.transpose(0, 2, 1).reshape(n, e)
    idx = idx_w.transpose(0, 2, 1).reshape(n, 2)
    return (rout, idx)

# --- scband reference (transcript-rebuilt; emitter-appended) ---
"""Pipeline reference for scband-noisy-top-krouter-44427141710497 (READ-ONLY COPY).

The authoritative reference and input builder live on the scoring server;
editing this copy changes nothing except your own understanding.
"""

import jax, jax.numpy as jnp
import numpy as np

N_EMBD = 768
N_EXPERTS = 8
TOP_K = 2
TOKENS = 32768


def setup_inputs(seed: int = 0) -> dict:
    key = jax.random.key(seed)
    k_x, k_wr, k_br, k_wn, k_bn = jax.random.split(key, 5)
    x = jax.random.normal(k_x, (TOKENS, N_EMBD), dtype=jnp.float32)
    s = 1.0 / np.sqrt(N_EMBD)
    W_route = jax.random.uniform(k_wr, (N_EXPERTS, N_EMBD), dtype=jnp.float32, minval=-s, maxval=s)
    b_route = jax.random.uniform(k_br, (N_EXPERTS,), dtype=jnp.float32, minval=-s, maxval=s)
    W_noise = jax.random.uniform(k_wn, (N_EXPERTS, N_EMBD), dtype=jnp.float32, minval=-s, maxval=s)
    b_noise = jax.random.uniform(k_bn, (N_EXPERTS,), dtype=jnp.float32, minval=-s, maxval=s)
    return {"x": x, "W_route": W_route, "b_route": b_route, "W_noise": W_noise, "b_noise": b_noise}


def reference(x, W_route, b_route, W_noise, b_noise):
    # r_act = self.top_k_route(x)
    r_act = x @ W_route.T + b_route
    # noise = self.noise(x)
    noise_lin = x @ W_noise.T + b_noise
    # noise = torch.randn_like(r_act) * F.softplus(noise)
    eps = jax.random.normal(jax.random.key(42), r_act.shape, dtype=r_act.dtype)
    noisy_r_act = r_act + eps * jax.nn.softplus(noise_lin)
    # topk_logits, idx = noisy_r_act.topk(self.top_k, dim=-1)
    topk_logits, idx = jax.lax.top_k(noisy_r_act, TOP_K)
    # sparse_logits = full(-inf).scatter(-1, idx, topk_logits)
    rows = jnp.arange(noisy_r_act.shape[0])[:, None]
    sparse_logits = jnp.full_like(noisy_r_act, -jnp.inf).at[rows, idx].set(topk_logits)
    r_out = jax.nn.softmax(sparse_logits, axis=-1)
    return (r_out, idx)

if __name__ == "__main__":
    import jax
    _d = setup_inputs()
    print(jax.jit(kernel)(*tuple(_d.values())))

</pallas_src>

<mosaic_0001>
#map = affine_map<(d0, d1) -> (0, 0, 0)>
module attributes {stable_mosaic.version = 14 : i64} {
  func.func @run(%arg0: i32, %arg1: i32, %arg2: memref<32x8x1024xf32, #tpu.memory_space<hbm>>, %arg3: memref<32x8x1024xf32, #tpu.memory_space<hbm>>, %arg4: memref<32x2x1024xi32, #tpu.memory_space<hbm>>, %arg5: memref<8x1024xf32, #tpu.memory_space<vmem>>, %arg6: memref<8x1024xf32, #tpu.memory_space<vmem>>, %arg7: memref<2x1024xi32, #tpu.memory_space<vmem>>) attributes {dimension_semantics = [#tpu.dimension_semantics<core_parallel>, #tpu.dimension_semantics<subcore_parallel>], iteration_bounds = array<i64: 2, 16>, scalar_prefetch = 0 : i64, scratch_operands = 3 : i64, tpu.core_type = #tpu.core_type<sc_vector_subcore>, window_params = [{transform_indices = #map}, {transform_indices = #map}, {transform_indices = #map}]} {
    %mul3A = arith.constant 2 : i32
    %mul3A_0 = arith.muli %arg1, %mul3A : i32
    %add3A = arith.addi %mul3A_0, %arg0 : i32
    "tpu.region"() ({
      %run_scoped3A = tpu.sem_alloc : memref<!tpu.dma_semaphore, #tpu.memory_space<semaphore_mem>>
      %dma_start3A = arith.constant 0 : i32
      %dma_start3A_6 = arith.constant 0 : i32
      %dma_start3A_7 = tpu.memref_slice %arg2[%add3A, %dma_start3A, %dma_start3A_6] : memref<32x8x1024xf32, #tpu.memory_space<hbm>> -> memref<1x8x1024xf32, #tpu.memory_space<hbm>>
      %dma_start3A_8 = tpu.memref_squeeze %dma_start3A_7 : memref<1x8x1024xf32, #tpu.memory_space<hbm>> -> memref<8x1024xf32, #tpu.memory_space<hbm>>
      %dma_start3A_9 = arith.constant 0 : i32
      %dma_start3A_10 = arith.constant 0 : i32
      %dma_start3A_11 = tpu.memref_slice %arg2[%add3A, %dma_start3A_9, %dma_start3A_10] : memref<32x8x1024xf32, #tpu.memory_space<hbm>> -> memref<1x8x1024xf32, #tpu.memory_space<hbm>>
      %dma_start3A_12 = tpu.memref_squeeze %dma_start3A_11 : memref<1x8x1024xf32, #tpu.memory_space<hbm>> -> memref<8x1024xf32, #tpu.memory_space<hbm>>
      tpu.enqueue_dma source(%dma_start3A_12 : memref<8x1024xf32, #tpu.memory_space<hbm>>) target(%arg5 : memref<8x1024xf32, #tpu.memory_space<vmem>>) target_semaphore(%run_scoped3A : memref<!tpu.dma_semaphore, #tpu.memory_space<semaphore_mem>>)
      %dma_wait3A = arith.constant 0 : i32
      %dma_wait3A_13 = arith.constant 0 : i32
      %dma_wait3A_14 = tpu.memref_slice %arg2[%add3A, %dma_wait3A, %dma_wait3A_13] : memref<32x8x1024xf32, #tpu.memory_space<hbm>> -> memref<1x8x1024xf32, #tpu.memory_space<hbm>>
      %dma_wait3A_15 = tpu.memref_squeeze %dma_wait3A_14 : memref<1x8x1024xf32, #tpu.memory_space<hbm>> -> memref<8x1024xf32, #tpu.memory_space<hbm>>
      %dma_wait3A_16 = arith.constant 0 : i32
      %dma_wait3A_17 = arith.constant 0 : i32
      %dma_wait3A_18 = tpu.memref_slice %arg2[%add3A, %dma_wait3A_16, %dma_wait3A_17] : memref<32x8x1024xf32, #tpu.memory_space<hbm>> -> memref<1x8x1024xf32, #tpu.memory_space<hbm>>
      %dma_wait3A_19 = tpu.memref_squeeze %dma_wait3A_18 : memref<1x8x1024xf32, #tpu.memory_space<hbm>> -> memref<8x1024xf32, #tpu.memory_space<hbm>>
      tpu.wait_dma2 semaphore(%run_scoped3A : memref<!tpu.dma_semaphore, #tpu.memory_space<semaphore_mem>>) src(%dma_wait3A_19 : memref<8x1024xf32, #tpu.memory_space<hbm>>) dst(%arg5 : memref<8x1024xf32, #tpu.memory_space<vmem>>)
      tpu.yield
    }) : () -> ()
    %scan3A = arith.constant 0 : i32
    %scan3A_1 = arith.constant 0 : i32
    %scan3A_2 = arith.constant 64 : i32
    %scan3A_3 = arith.addi %scan3A_1, %scan3A_2 : i32
    %scan3A_4 = arith.constant 1 : i32
    scf.for %scan3A_6 = %scan3A_1 to %scan3A_3 step %scan3A_4  : i32 {
      %mul3A_7 = arith.constant 16 : i32
      %mul3A_8 = arith.muli %scan3A_6, %mul3A_7 : i32
      %get3A = arith.constant 0 : i32
      %get3A_9 = arith.index_cast %get3A : i32 to index
      %get3A_10 = arith.index_cast %mul3A_8 : i32 to index
      %get3A_11 = tpu.vector_load %arg5[%get3A_9, %get3A_10] {strides = array<i32>} : memref<8x1024xf32, #tpu.memory_space<vmem>>, vector<1x16xf32>,
      %get3A_12 = vector.shape_cast %get3A_11 : vector<1x16xf32> to vector<16xf32>
      %get3A_13 = arith.constant 1 : i32
      %get3A_14 = arith.index_cast %get3A_13 : i32 to index
      %get3A_15 = arith.index_cast %mul3A_8 : i32 to index
      %get3A_16 = tpu.vector_load %arg5[%get3A_14, %get3A_15] {strides = array<i32>} : memref<8x1024xf32, #tpu.memory_space<vmem>>, vector<1x16xf32>,
      %get3A_17 = vector.shape_cast %get3A_16 : vector<1x16xf32> to vector<16xf32>
      %get3A_18 = arith.constant 2 : i32
      %get3A_19 = arith.index_cast %get3A_18 : i32 to index
      %get3A_20 = arith.index_cast %mul3A_8 : i32 to index
      %get3A_21 = tpu.vector_load %arg5[%get3A_19, %get3A_20] {strides = array<i32>} : memref<8x1024xf32, #tpu.memory_space<vmem>>, vector<1x16xf32>,
      %get3A_22 = vector.shape_cast %get3A_21 : vector<1x16xf32> to vector<16xf32>
      %get3A_23 = arith.constant 3 : i32
      %get3A_24 = arith.index_cast %get3A_23 : i32 to index
      %get3A_25 = arith.index_cast %mul3A_8 : i32 to index
      %get3A_26 = tpu.vector_load %arg5[%get3A_24, %get3A_25] {strides = array<i32>} : memref<8x1024xf32, #tpu.memory_space<vmem>>, vector<1x16xf32>,
      %get3A_27 = vector.shape_cast %get3A_26 : vector<1x16xf32> to vector<16xf32>
      %get3A_28 = arith.constant 4 : i32
      %get3A_29 = arith.index_cast %get3A_28 : i32 to index
      %get3A_30 = arith.index_cast %mul3A_8 : i32 to index
      %get3A_31 = tpu.vector_load %arg5[%get3A_29, %get3A_30] {strides = array<i32>} : memref<8x1024xf32, #tpu.memory_space<vmem>>, vector<1x16xf32>,
      %get3A_32 = vector.shape_cast %get3A_31 : vector<1x16xf32> to vector<16xf32>
      %get3A_33 = arith.constant 5 : i32
      %get3A_34 = arith.index_cast %get3A_33 : i32 to index
      %get3A_35 = arith.index_cast %mul3A_8 : i32 to index
      %get3A_36 = tpu.vector_load %arg5[%get3A_34, %get3A_35] {strides = array<i32>} : memref<8x1024xf32, #tpu.memory_space<vmem>>, vector<1x16xf32>,
      %get3A_37 = vector.shape_cast %get3A_36 : vector<1x16xf32> to vector<16xf32>
      %get3A_38 = arith.constant 6 : i32
      %get3A_39 = arith.index_cast %get3A_38 : i32 to index
      %get3A_40 = arith.index_cast %mul3A_8 : i32 to index
      %get3A_41 = tpu.vector_load %arg5[%get3A_39, %get3A_40] {strides = array<i32>} : memref<8x1024xf32, #tpu.memory_space<vmem>>, vector<1x16xf32>,
      %get3A_42 = vector.shape_cast %get3A_41 : vector<1x16xf32> to vector<16xf32>
      %get3A_43 = arith.constant 7 : i32
      %get3A_44 = arith.index_cast %get3A_43 : i32 to index
      %get3A_45 = arith.index_cast %mul3A_8 : i32 to index
      %get3A_46 = tpu.vector_load %arg5[%get3A_44, %get3A_45] {strides = array<i32>} : memref<8x1024xf32, #tpu.memory_space<vmem>>, vector<1x16xf32>,
      %get3A_47 = vector.shape_cast %get3A_46 : vector<1x16xf32> to vector<16xf32>
      %broadcast_in_dim3A = arith.constant 0 : i32
      %broadcast_in_dim3A_48 = vector.broadcast %broadcast_in_dim3A : i32 to vector<16xi32>
      %gt3A = arith.cmpf ogt, %get3A_17, %get3A_12 : vector<16xf32>
      %select_n3A = arith.select %gt3A, %get3A_17, %get3A_12 : vector<16xi1>, vector<16xf32>
      %jit3A = arith.constant 1 : i32
      %broadcast_in_dim3A_49 = vector.broadcast %jit3A : i32 to vector<16xi32>
      %select_n3A_50 = arith.select %gt3A, %broadcast_in_dim3A_49, %broadcast_in_dim3A_48 : vector<16xi1>, vector<16xi32>
      %gt3A_51 = arith.cmpf ogt, %get3A_22, %select_n3A : vector<16xf32>
      %select_n3A_52 = arith.select %gt3A_51, %get3A_22, %select_n3A : vector<16xi1>, vector<16xf32>
      %jit3A_53 = arith.constant 2 : i32
      %broadcast_in_dim3A_54 = vector.broadcast %jit3A_53 : i32 to vector<16xi32>
      %select_n3A_55 = arith.select %gt3A_51, %broadcast_in_dim3A_54, %select_n3A_50 : vector<16xi1>, vector<16xi32>
      %gt3A_56 = arith.cmpf ogt, %get3A_27, %select_n3A_52 : vector<16xf32>
      %select_n3A_57 = arith.select %gt3A_56, %get3A_27, %select_n3A_52 : vector<16xi1>, vector<16xf32>
      %jit3A_58 = arith.constant 3 : i32
      %broadcast_in_dim3A_59 = vector.broadcast %jit3A_58 : i32 to vector<16xi32>
      %select_n3A_60 = arith.select %gt3A_56, %broadcast_in_dim3A_59, %select_n3A_55 : vector<16xi1>, vector<16xi32>
      %gt3A_61 = arith.cmpf ogt, %get3A_32, %select_n3A_57 : vector<16xf32>
      %select_n3A_62 = arith.select %gt3A_61, %get3A_32, %select_n3A_57 : vector<16xi1>, vector<16xf32>
      %jit3A_63 = arith.constant 4 : i32
      %broadcast_in_dim3A_64 = vector.broadcast %jit3A_63 : i32 to vector<16xi32>
      %select_n3A_65 = arith.select %gt3A_61, %broadcast_in_dim3A_64, %select_n3A_60 : vector<16xi1>, vector<16xi32>
      %gt3A_66 = arith.cmpf ogt, %get3A_37, %select_n3A_62 : vector<16xf32>
      %select_n3A_67 = arith.select %gt3A_66, %get3A_37, %select_n3A_62 : vector<16xi1>, vector<16xf32>
      %jit3A_68 = arith.constant 5 : i32
      %broadcast_in_dim3A_69 = vector.broadcast %jit3A_68 : i32 to vector<16xi32>
      %select_n3A_70 = arith.select %gt3A_66, %broadcast_in_dim3A_69, %select_n3A_65 : vector<16xi1>, vector<16xi32>
      %gt3A_71 = arith.cmpf ogt, %get3A_42, %select_n3A_67 : vector<16xf32>
      %select_n3A_72 = arith.select %gt3A_71, %get3A_42, %select_n3A_67 : vector<16xi1>, vector<16xf32>
      %jit3A_73 = arith.constant 6 : i32
      %broadcast_in_dim3A_74 = vector.broadcast %jit3A_73 : i32 to vector<16xi32>
      %select_n3A_75 = arith.select %gt3A_71, %broadcast_in_dim3A_74, %select_n3A_70 : vector<16xi1>, vector<16xi32>
      %gt3A_76 = arith.cmpf ogt, %get3A_47, %select_n3A_72 : vector<16xf32>
      %select_n3A_77 = arith.select %gt3A_76, %get3A_47, %select_n3A_72 : vector<16xi1>, vector<16xf32>
      %jit3A_78 = arith.constant 7 : i32
      %broadcast_in_dim3A_79 = vector.broadcast %jit3A_78 : i32 to vector<16xi32>
      %select_n3A_80 = arith.select %gt3A_76, %broadcast_in_dim3A_79, %select_n3A_75 : vector<16xi1>, vector<16xi32>
      %broadcast_in_dim3A_81 = arith.constant 0xFF800000 : f32
      %broadcast_in_dim3A_82 = vector.broadcast %broadcast_in_dim3A_81 : f32 to vector<16xf32>
      %broadcast_in_dim3A_83 = arith.constant 0 : i32
      %broadcast_in_dim3A_84 = vector.broadcast %broadcast_in_dim3A_83 : i32 to vector<16xi32>
      %gt3A_85 = arith.cmpf ogt, %get3A_12, %broadcast_in_dim3A_82 : vector<16xf32>
      %ne3A = arith.constant 0 : i32
      %ne3A_86 = vector.broadcast %ne3A : i32 to vector<16xi32>
      %ne3A_87 = arith.cmpi ne, %select_n3A_80, %ne3A_86 : vector<16xi32>
      %and3A = arith.andi %gt3A_85, %ne3A_87 : vector<16xi1>
      %select_n3A_88 = arith.select %and3A, %get3A_12, %broadcast_in_dim3A_82 : vector<16xi1>, vector<16xf32>
      %jit3A_89 = arith.constant 0 : i32
      %broadcast_in_dim3A_90 = vector.broadcast %jit3A_89 : i32 to vector<16xi32>
      %select_n3A_91 = arith.select %and3A, %broadcast_in_dim3A_90, %broadcast_in_dim3A_84 : vector<16xi1>, vector<16xi32>
      %gt3A_92 = arith.cmpf ogt, %get3A_17, %select_n3A_88 : vector<16xf32>
      %ne3A_93 = arith.constant 1 : i32
      %ne3A_94 = vector.broadcast %ne3A_93 : i32 to vector<16xi32>
      %ne3A_95 = arith.cmpi ne, %select_n3A_80, %ne3A_94 : vector<16xi32>
      %and3A_96 = arith.andi %gt3A_92, %ne3A_95 : vector<16xi1>
      %select_n3A_97 = arith.select %and3A_96, %get3A_17, %select_n3A_88 : vector<16xi1>, vector<16xf32>
      %jit3A_98 = arith.constant 1 : i32
      %broadcast_in_dim3A_99 = vector.broadcast %jit3A_98 : i32 to vector<16xi32>
      %select_n3A_100 = arith.select %and3A_96, %broadcast_in_dim3A_99, %select_n3A_91 : vector<16xi1>, vector<16xi32>
      %gt3A_101 = arith.cmpf ogt, %get3A_22, %select_n3A_97 : vector<16xf32>
      %ne3A_102 = arith.constant 2 : i32
      %ne3A_103 = vector.broadcast %ne3A_102 : i32 to vector<16xi32>
      %ne3A_104 = arith.cmpi ne, %select_n3A_80, %ne3A_103 : vector<16xi32>
      %and3A_105 = arith.andi %gt3A_101, %ne3A_104 : vector<16xi1>
      %select_n3A_106 = arith.select %and3A_105, %get3A_22, %select_n3A_97 : vector<16xi1>, vector<16xf32>
      %jit3A_107 = arith.constant 2 : i32
      %broadcast_in_dim3A_108 = vector.broadcast %jit3A_107 : i32 to vector<16xi32>
      %select_n3A_109 = arith.select %and3A_105, %broadcast_in_dim3A_108, %select_n3A_100 : vector<16xi1>, vector<16xi32>
      %gt3A_110 = arith.cmpf ogt, %get3A_27, %select_n3A_106 : vector<16xf32>
      %ne3A_111 = arith.constant 3 : i32
      %ne3A_112 = vector.broadcast %ne3A_111 : i32 to vector<16xi32>
      %ne3A_113 = arith.cmpi ne, %select_n3A_80, %ne3A_112 : vector<16xi32>
      %and3A_114 = arith.andi %gt3A_110, %ne3A_113 : vector<16xi1>
      %select_n3A_115 = arith.select %and3A_114, %get3A_27, %select_n3A_106 : vector<16xi1>, vector<16xf32>
      %jit3A_116 = arith.constant 3 : i32
      %broadcast_in_dim3A_117 = vector.broadcast %jit3A_116 : i32 to vector<16xi32>
      %select_n3A_118 = arith.select %and3A_114, %broadcast_in_dim3A_117, %select_n3A_109 : vector<16xi1>, vector<16xi32>
      %gt3A_119 = arith.cmpf ogt, %get3A_32, %select_n3A_115 : vector<16xf32>
      %ne3A_120 = arith.constant 4 : i32
      %ne3A_121 = vector.broadcast %ne3A_120 : i32 to vector<16xi32>
      %ne3A_122 = arith.cmpi ne, %select_n3A_80, %ne3A_121 : vector<16xi32>
      %and3A_123 = arith.andi %gt3A_119, %ne3A_122 : vector<16xi1>
      %select_n3A_124 = arith.select %and3A_123, %get3A_32, %select_n3A_115 : vector<16xi1>, vector<16xf32>
      %jit3A_125 = arith.constant 4 : i32
      %broadcast_in_dim3A_126 = vector.broadcast %jit3A_125 : i32 to vector<16xi32>
      %select_n3A_127 = arith.select %and3A_123, %broadcast_in_dim3A_126, %select_n3A_118 : vector<16xi1>, vector<16xi32>
      %gt3A_128 = arith.cmpf ogt, %get3A_37, %select_n3A_124 : vector<16xf32>
      %ne3A_129 = arith.constant 5 : i32
      %ne3A_130 = vector.broadcast %ne3A_129 : i32 to vector<16xi32>
      %ne3A_131 = arith.cmpi ne, %select_n3A_80, %ne3A_130 : vector<16xi32>
      %and3A_132 = arith.andi %gt3A_128, %ne3A_131 : vector<16xi1>
      %select_n3A_133 = arith.select %and3A_132, %get3A_37, %select_n3A_124 : vector<16xi1>, vector<16xf32>
      %jit3A_134 = arith.constant 5 : i32
      %broadcast_in_dim3A_135 = vector.broadcast %jit3A_134 : i32 to vector<16xi32>
      %select_n3A_136 = arith.select %and3A_132, %broadcast_in_dim3A_135, %select_n3A_127 : vector<16xi1>, vector<16xi32>
      %gt3A_137 = arith.cmpf ogt, %get3A_42, %select_n3A_133 : vector<16xf32>
      %ne3A_138 = arith.constant 6 : i32
      %ne3A_139 = vector.broadcast %ne3A_138 : i32 to vector<16xi32>
      %ne3A_140 = arith.cmpi ne, %select_n3A_80, %ne3A_139 : vector<16xi32>
      %and3A_141 = arith.andi %gt3A_137, %ne3A_140 : vector<16xi1>
      %select_n3A_142 = arith.select %and3A_141, %get3A_42, %select_n3A_133 : vector<16xi1>, vector<16xf32>
      %jit3A_143 = arith.constant 6 : i32
      %broadcast_in_dim3A_144 = vector.broadcast %jit3A_143 : i32 to vector<16xi32>
      %select_n3A_145 = arith.select %and3A_141, %broadcast_in_dim3A_144, %select_n3A_136 : vector<16xi1>, vector<16xi32>
      %gt3A_146 = arith.cmpf ogt, %get3A_47, %select_n3A_142 : vector<16xf32>
      %ne3A_147 = arith.constant 7 : i32
      %ne3A_148 = vector.broadcast %ne3A_147 : i32 to vector<16xi32>
      %ne3A_149 = arith.cmpi ne, %select_n3A_80, %ne3A_148 : vector<16xi32>
      %and3A_150 = arith.andi %gt3A_146, %ne3A_149 : vector<16xi1>
      %select_n3A_151 = arith.select %and3A_150, %get3A_47, %select_n3A_142 : vector<16xi1>, vector<16xf32>
      %jit3A_152 = arith.constant 7 : i32
      %broadcast_in_dim3A_153 = vector.broadcast %jit3A_152 : i32 to vector<16xi32>
      %select_n3A_154 = arith.select %and3A_150, %broadcast_in_dim3A_153, %select_n3A_145 : vector<16xi1>, vector<16xi32>
      %sub3A = arith.subf %select_n3A_151, %select_n3A_77 : vector<16xf32>
      %exp3A = math.exp %sub3A : vector<16xf32>
      %add3A_155 = arith.constant 1.000000e+00 : f32
      %add3A_156 = vector.broadcast %add3A_155 : f32 to vector<16xf32>
      %add3A_157 = arith.addf %add3A_156, %exp3A : vector<16xf32>
      %div3A = arith.constant 1.000000e+00 : f32
      %div3A_158 = vector.broadcast %div3A : f32 to vector<16xf32>
      %div3A_159 = arith.divf %div3A_158, %add3A_157 : vector<16xf32>
      %add3A_160 = arith.constant 1.000000e+00 : f32
      %add3A_161 = vector.broadcast %add3A_160 : f32 to vector<16xf32>
      %add3A_162 = arith.addf %add3A_161, %exp3A : vector<16xf32>
      %div3A_163 = arith.divf %exp3A, %add3A_162 : vector<16xf32>
      %broadcast_in_dim3A_164 = arith.constant 0.000000e+00 : f32
      %broadcast_in_dim3A_165 = vector.broadcast %broadcast_in_dim3A_164 : f32 to vector<16xf32>
      %eq3A = arith.constant 0 : i32
      %eq3A_166 = vector.broadcast %eq3A : i32 to vector<16xi32>
      %eq3A_167 = arith.cmpi eq, %select_n3A_80, %eq3A_166 : vector<16xi32>
      %eq3A_168 = arith.constant 0 : i32
      %eq3A_169 = vector.broadcast %eq3A_168 : i32 to vector<16xi32>
      %eq3A_170 = arith.cmpi eq, %select_n3A_154, %eq3A_169 : vector<16xi32>
      %select_n3A_171 = arith.select %eq3A_170, %div3A_163, %broadcast_in_dim3A_165 : vector<16xi1>, vector<16xf32>
      %select_n3A_172 = arith.select %eq3A_167, %div3A_159, %select_n3A_171 : vector<16xi1>, vector<16xf32>
      %swap3A = arith.constant 0 : i32
      %swap3A_173 = arith.index_cast %swap3A : i32 to index
      %swap3A_174 = arith.index_cast %mul3A_8 : i32 to index
      %swap3A_175 = tpu.vector_load %arg6[%swap3A_173, %swap3A_174] {strides = array<i32>} : memref<8x1024xf32, #tpu.memory_space<vmem>>, vector<1x16xf32>,
      %swap3A_176 = vector.shape_cast %swap3A_175 : vector<1x16xf32> to vector<16xf32>
      %swap3A_177 = vector.shape_cast %select_n3A_172 : vector<16xf32> to vector<1x16xf32>
      tpu.vector_store %arg6[%swap3A_173, %swap3A_174], %swap3A_177 {strides = array<i32>} : memref<8x1024xf32, #tpu.memory_space<vmem>>, vector<1x16xf32>,
      %eq3A_178 = arith.constant 1 : i32
      %eq3A_179 = vector.broadcast %eq3A_178 : i32 to vector<16xi32>
      %eq3A_180 = arith.cmpi eq, %select_n3A_80, %eq3A_179 : vector<16xi32>
      %eq3A_181 = arith.constant 1 : i32
      %eq3A_182 = vector.broadcast %eq3A_181 : i32 to vector<16xi32>
      %eq3A_183 = arith.cmpi eq, %select_n3A_154, %eq3A_182 : vector<16xi32>
      %select_n3A_184 = arith.select %eq3A_183, %div3A_163, %broadcast_in_dim3A_165 : vector<16xi1>, vector<16xf32>
      %select_n3A_185 = arith.select %eq3A_180, %div3A_159, %select_n3A_184 : vector<16xi1>, vector<16xf32>
      %swap3A_186 = arith.constant 1 : i32
      %swap3A_187 = arith.index_cast %swap3A_186 : i32 to index
      %swap3A_188 = arith.index_cast %mul3A_8 : i32 to index
      %swap3A_189 = tpu.vector_load %arg6[%swap3A_187, %swap3A_188] {strides = array<i32>} : memref<8x1024xf32, #tpu.memory_space<vmem>>, vector<1x16xf32>,
      %swap3A_190 = vector.shape_cast %swap3A_189 : vector<1x16xf32> to vector<16xf32>
      %swap3A_191 = vector.shape_cast %select_n3A_185 : vector<16xf32> to vector<1x16xf32>
      tpu.vector_store %arg6[%swap3A_187, %swap3A_188], %swap3A_191 {strides = array<i32>} : memref<8x1024xf32, #tpu.memory_space<vmem>>, vector<1x16xf32>,
      %eq3A_192 = arith.constant 2 : i32
      %eq3A_193 = vector.broadcast %eq3A_192 : i32 to vector<16xi32>
      %eq3A_194 = arith.cmpi eq, %select_n3A_80, %eq3A_193 : vector<16xi32>
      %eq3A_195 = arith.constant 2 : i32
      %eq3A_196 = vector.broadcast %eq3A_195 : i32 to vector<16xi32>
      %eq3A_197 = arith.cmpi eq, %select_n3A_154, %eq3A_196 : vector<16xi32>
      %select_n3A_198 = arith.select %eq3A_197, %div3A_163, %broadcast_in_dim3A_165 : vector<16xi1>, vector<16xf32>
      %select_n3A_199 = arith.select %eq3A_194, %div3A_159, %select_n3A_198 : vector<16xi1>, vector<16xf32>
      %swap3A_200 = arith.constant 2 : i32
      %swap3A_201 = arith.index_cast %swap3A_200 : i32 to index
      %swap3A_202 = arith.index_cast %mul3A_8 : i32 to index
      %swap3A_203 = tpu.vector_load %arg6[%swap3A_201, %swap3A_202] {strides = array<i32>} : memref<8x1024xf32, #tpu.memory_space<vmem>>, vector<1x16xf32>,
      %swap3A_204 = vector.shape_cast %swap3A_203 : vector<1x16xf32> to vector<16xf32>
      %swap3A_205 = vector.shape_cast %select_n3A_199 : vector<16xf32> to vector<1x16xf32>
      tpu.vector_store %arg6[%swap3A_201, %swap3A_202], %swap3A_205 {strides = array<i32>} : memref<8x1024xf32, #tpu.memory_space<vmem>>, vector<1x16xf32>,
      %eq3A_206 = arith.constant 3 : i32
      %eq3A_207 = vector.broadcast %eq3A_206 : i32 to vector<16xi32>
      %eq3A_208 = arith.cmpi eq, %select_n3A_80, %eq3A_207 : vector<16xi32>
      %eq3A_209 = arith.constant 3 : i32
      %eq3A_210 = vector.broadcast %eq3A_209 : i32 to vector<16xi32>
      %eq3A_211 = arith.cmpi eq, %select_n3A_154, %eq3A_210 : vector<16xi32>
      %select_n3A_212 = arith.select %eq3A_211, %div3A_163, %broadcast_in_dim3A_165 : vector<16xi1>, vector<16xf32>
      %select_n3A_213 = arith.select %eq3A_208, %div3A_159, %select_n3A_212 : vector<16xi1>, vector<16xf32>
      %swap3A_214 = arith.constant 3 : i32
      %swap3A_215 = arith.index_cast %swap3A_214 : i32 to index
      %swap3A_216 = arith.index_cast %mul3A_8 : i32 to index
      %swap3A_217 = tpu.vector_load %arg6[%swap3A_215, %swap3A_216] {strides = array<i32>} : memref<8x1024xf32, #tpu.memory_space<vmem>>, vector<1x16xf32>,
      %swap3A_218 = vector.shape_cast %swap3A_217 : vector<1x16xf32> to vector<16xf32>
      %swap3A_219 = vector.shape_cast %select_n3A_213 : vector<16xf32> to vector<1x16xf32>
      tpu.vector_store %arg6[%swap3A_215, %swap3A_216], %swap3A_219 {strides = array<i32>} : memref<8x1024xf32, #tpu.memory_space<vmem>>, vector<1x16xf32>,
      %eq3A_220 = arith.constant 4 : i32
      %eq3A_221 = vector.broadcast %eq3A_220 : i32 to vector<16xi32>
      %eq3A_222 = arith.cmpi eq, %select_n3A_80, %eq3A_221 : vector<16xi32>
      %eq3A_223 = arith.constant 4 : i32
      %eq3A_224 = vector.broadcast %eq3A_223 : i32 to vector<16xi32>
      %eq3A_225 = arith.cmpi eq, %select_n3A_154, %eq3A_224 : vector<16xi32>
      %select_n3A_226 = arith.select %eq3A_225, %div3A_163, %broadcast_in_dim3A_165 : vector<16xi1>, vector<16xf32>
      %select_n3A_227 = arith.select %eq3A_222, %div3A_159, %select_n3A_226 : vector<16xi1>, vector<16xf32>
      %swap3A_228 = arith.constant 4 : i32
      %swap3A_229 = arith.index_cast %swap3A_228 : i32 to index
      %swap3A_230 = arith.index_cast %mul3A_8 : i32 to index
      %swap3A_231 = tpu.vector_load %arg6[%swap3A_229, %swap3A_230] {strides = array<i32>} : memref<8x1024xf32, #tpu.memory_space<vmem>>, vector<1x16xf32>,
      %swap3A_232 = vector.shape_cast %swap3A_231 : vector<1x16xf32> to vector<16xf32>
      %swap3A_233 = vector.shape_cast %select_n3A_227 : vector<16xf32> to vector<1x16xf32>
      tpu.vector_store %arg6[%swap3A_229, %swap3A_230], %swap3A_233 {strides = array<i32>} : memref<8x1024xf32, #tpu.memory_space<vmem>>, vector<1x16xf32>,
      %eq3A_234 = arith.constant 5 : i32
      %eq3A_235 = vector.broadcast %eq3A_234 : i32 to vector<16xi32>
      %eq3A_236 = arith.cmpi eq, %select_n3A_80, %eq3A_235 : vector<16xi32>
      %eq3A_237 = arith.constant 5 : i32
      %eq3A_238 = vector.broadcast %eq3A_237 : i32 to vector<16xi32>
      %eq3A_239 = arith.cmpi eq, %select_n3A_154, %eq3A_238 : vector<16xi32>
      %select_n3A_240 = arith.select %eq3A_239, %div3A_163, %broadcast_in_dim3A_165 : vector<16xi1>, vector<16xf32>
      %select_n3A_241 = arith.select %eq3A_236, %div3A_159, %select_n3A_240 : vector<16xi1>, vector<16xf32>
      %swap3A_242 = arith.constant 5 : i32
      %swap3A_243 = arith.index_cast %swap3A_242 : i32 to index
      %swap3A_244 = arith.index_cast %mul3A_8 : i32 to index
      %swap3A_245 = tpu.vector_load %arg6[%swap3A_243, %swap3A_244] {strides = array<i32>} : memref<8x1024xf32, #tpu.memory_space<vmem>>, vector<1x16xf32>,
      %swap3A_246 = vector.shape_cast %swap3A_245 : vector<1x16xf32> to vector<16xf32>
      %swap3A_247 = vector.shape_cast %select_n3A_241 : vector<16xf32> to vector<1x16xf32>
      tpu.vector_store %arg6[%swap3A_243, %swap3A_244], %swap3A_247 {strides = array<i32>} : memref<8x1024xf32, #tpu.memory_space<vmem>>, vector<1x16xf32>,
      %eq3A_248 = arith.constant 6 : i32
      %eq3A_249 = vector.broadcast %eq3A_248 : i32 to vector<16xi32>
      %eq3A_250 = arith.cmpi eq, %select_n3A_80, %eq3A_249 : vector<16xi32>
      %eq3A_251 = arith.constant 6 : i32
      %eq3A_252 = vector.broadcast %eq3A_251 : i32 to vector<16xi32>
      %eq3A_253 = arith.cmpi eq, %select_n3A_154, %eq3A_252 : vector<16xi32>
      %select_n3A_254 = arith.select %eq3A_253, %div3A_163, %broadcast_in_dim3A_165 : vector<16xi1>, vector<16xf32>
      %select_n3A_255 = arith.select %eq3A_250, %div3A_159, %select_n3A_254 : vector<16xi1>, vector<16xf32>
      %swap3A_256 = arith.constant 6 : i32
      %swap3A_257 = arith.index_cast %swap3A_256 : i32 to index
      %swap3A_258 = arith.index_cast %mul3A_8 : i32 to index
      %swap3A_259 = tpu.vector_load %arg6[%swap3A_257, %swap3A_258] {strides = array<i32>} : memref<8x1024xf32, #tpu.memory_space<vmem>>, vector<1x16xf32>,
      %swap3A_260 = vector.shape_cast %swap3A_259 : vector<1x16xf32> to vector<16xf32>
      %swap3A_261 = vector.shape_cast %select_n3A_255 : vector<16xf32> to vector<1x16xf32>
      tpu.vector_store %arg6[%swap3A_257, %swap3A_258], %swap3A_261 {strides = array<i32>} : memref<8x1024xf32, #tpu.memory_space<vmem>>, vector<1x16xf32>,
      %eq3A_262 = arith.constant 7 : i32
      %eq3A_263 = vector.broadcast %eq3A_262 : i32 to vector<16xi32>
      %eq3A_264 = arith.cmpi eq, %select_n3A_80, %eq3A_263 : vector<16xi32>
      %eq3A_265 = arith.constant 7 : i32
      %eq3A_266 = vector.broadcast %eq3A_265 : i32 to vector<16xi32>
      %eq3A_267 = arith.cmpi eq, %select_n3A_154, %eq3A_266 : vector<16xi32>
      %select_n3A_268 = arith.select %eq3A_267, %div3A_163, %broadcast_in_dim3A_165 : vector<16xi1>, vector<16xf32>
      %select_n3A_269 = arith.select %eq3A_264, %div3A_159, %select_n3A_268 : vector<16xi1>, vector<16xf32>
      %swap3A_270 = arith.constant 7 : i32
      %swap3A_271 = arith.index_cast %swap3A_270 : i32 to index
      %swap3A_272 = arith.index_cast %mul3A_8 : i32 to index
      %swap3A_273 = tpu.vector_load %arg6[%swap3A_271, %swap3A_272] {strides = array<i32>} : memref<8x1024xf32, #tpu.memory_space<vmem>>, vector<1x16xf32>,
      %swap3A_274 = vector.shape_cast %swap3A_273 : vector<1x16xf32> to vector<16xf32>
      %swap3A_275 = vector.shape_cast %select_n3A_269 : vector<16xf32> to vector<1x16xf32>
      tpu.vector_store %arg6[%swap3A_271, %swap3A_272], %swap3A_275 {strides = array<i32>} : memref<8x1024xf32, #tpu.memory_space<vmem>>, vector<1x16xf32>,
      %swap3A_276 = arith.constant 0 : i32
      %swap3A_277 = arith.index_cast %swap3A_276 : i32 to index
      %swap3A_278 = arith.index_cast %mul3A_8 : i32 to index
      %swap3A_279 = tpu.vector_load %arg7[%swap3A_277, %swap3A_278] {strides = array<i32>} : memref<2x1024xi32, #tpu.memory_space<vmem>>, vector<1x16xi32>,
      %swap3A_280 = vector.shape_cast %swap3A_279 : vector<1x16xi32> to vector<16xi32>
      %swap3A_281 = vector.shape_cast %select_n3A_80 : vector<16xi32> to vector<1x16xi32>
      tpu.vector_store %arg7[%swap3A_277, %swap3A_278], %swap3A_281 {strides = array<i32>} : memref<2x1024xi32, #tpu.memory_space<vmem>>, vector<1x16xi32>,
      %swap3A_282 = arith.constant 1 : i32
      %swap3A_283 = arith.index_cast %swap3A_282 : i32 to index
      %swap3A_284 = arith.index_cast %mul3A_8 : i32 to index
      %swap3A_285 = tpu.vector_load %arg7[%swap3A_283, %swap3A_284] {strides = array<i32>} : memref<2x1024xi32, #tpu.memory_space<vmem>>, vector<1x16xi32>,
      %swap3A_286 = vector.shape_cast %swap3A_285 : vector<1x16xi32> to vector<16xi32>
      %swap3A_287 = vector.shape_cast %select_n3A_154 : vector<16xi32> to vector<1x16xi32>
      tpu.vector_store %arg7[%swap3A_283, %swap3A_284], %swap3A_287 {strides = array<i32>} : memref<2x1024xi32, #tpu.memory_space<vmem>>, vector<1x16xi32>,
    }
    %scan3A_5 = arith.constant 64 : i32
    "tpu.region"() ({
      %run_scoped3A = tpu.sem_alloc : memref<!tpu.dma_semaphore, #tpu.memory_space<semaphore_mem>>
      %dma_start3A = arith.constant 0 : i32
      %dma_start3A_6 = arith.constant 0 : i32
      %dma_start3A_7 = tpu.memref_slice %arg3[%add3A, %dma_start3A, %dma_start3A_6] : memref<32x8x1024xf32, #tpu.memory_space<hbm>> -> memref<1x8x1024xf32, #tpu.memory_space<hbm>>
      %dma_start3A_8 = tpu.memref_squeeze %dma_start3A_7 : memref<1x8x1024xf32, #tpu.memory_space<hbm>> -> memref<8x1024xf32, #tpu.memory_space<hbm>>
      %dma_start3A_9 = arith.constant 0 : i32
      %dma_start3A_10 = arith.constant 0 : i32
      %dma_start3A_11 = tpu.memref_slice %arg3[%add3A, %dma_start3A_9, %dma_start3A_10] : memref<32x8x1024xf32, #tpu.memory_space<hbm>> -> memref<1x8x1024xf32, #tpu.memory_space<hbm>>
      %dma_start3A_12 = tpu.memref_squeeze %dma_start3A_11 : memref<1x8x1024xf32, #tpu.memory_space<hbm>> -> memref<8x1024xf32, #tpu.memory_space<hbm>>
      tpu.enqueue_dma source(%arg6 : memref<8x1024xf32, #tpu.memory_space<vmem>>) target(%dma_start3A_12 : memref<8x1024xf32, #tpu.memory_space<hbm>>) target_semaphore(%run_scoped3A : memref<!tpu.dma_semaphore, #tpu.memory_space<semaphore_mem>>)
      %dma_wait3A = arith.constant 0 : i32
      %dma_wait3A_13 = arith.constant 0 : i32
      %dma_wait3A_14 = tpu.memref_slice %arg3[%add3A, %dma_wait3A, %dma_wait3A_13] : memref<32x8x1024xf32, #tpu.memory_space<hbm>> -> memref<1x8x1024xf32, #tpu.memory_space<hbm>>
      %dma_wait3A_15 = tpu.memref_squeeze %dma_wait3A_14 : memref<1x8x1024xf32, #tpu.memory_space<hbm>> -> memref<8x1024xf32, #tpu.memory_space<hbm>>
      %dma_wait3A_16 = arith.constant 0 : i32
      %dma_wait3A_17 = arith.constant 0 : i32
      %dma_wait3A_18 = tpu.memref_slice %arg3[%add3A, %dma_wait3A_16, %dma_wait3A_17] : memref<32x8x1024xf32, #tpu.memory_space<hbm>> -> memref<1x8x1024xf32, #tpu.memory_space<hbm>>
      %dma_wait3A_19 = tpu.memref_squeeze %dma_wait3A_18 : memref<1x8x1024xf32, #tpu.memory_space<hbm>> -> memref<8x1024xf32, #tpu.memory_space<hbm>>
      tpu.wait_dma2 semaphore(%run_scoped3A : memref<!tpu.dma_semaphore, #tpu.memory_space<semaphore_mem>>) src(%arg6 : memref<8x1024xf32, #tpu.memory_space<vmem>>) dst(%dma_wait3A_19 : memref<8x1024xf32, #tpu.memory_space<hbm>>)
      tpu.yield
    }) : () -> ()
    "tpu.region"() ({
      %run_scoped3A = tpu.sem_alloc : memref<!tpu.dma_semaphore, #tpu.memory_space<semaphore_mem>>
      %dma_start3A = arith.constant 0 : i32
      %dma_start3A_6 = arith.constant 0 : i32
      %dma_start3A_7 = tpu.memref_slice %arg4[%add3A, %dma_start3A, %dma_start3A_6] : memref<32x2x1024xi32, #tpu.memory_space<hbm>> -> memref<1x2x1024xi32, #tpu.memory_space<hbm>>
      %dma_start3A_8 = tpu.memref_squeeze %dma_start3A_7 : memref<1x2x1024xi32, #tpu.memory_space<hbm>> -> memref<2x1024xi32, #tpu.memory_space<hbm>>
      %dma_start3A_9 = arith.constant 0 : i32
      %dma_start3A_10 = arith.constant 0 : i32
      %dma_start3A_11 = tpu.memref_slice %arg4[%add3A, %dma_start3A_9, %dma_start3A_10] : memref<32x2x1024xi32, #tpu.memory_space<hbm>> -> memref<1x2x1024xi32, #tpu.memory_space<hbm>>
      %dma_start3A_12 = tpu.memref_squeeze %dma_start3A_11 : memref<1x2x1024xi32, #tpu.memory_space<hbm>> -> memref<2x1024xi32, #tpu.memory_space<hbm>>
      tpu.enqueue_dma source(%arg7 : memref<2x1024xi32, #tpu.memory_space<vmem>>) target(%dma_start3A_12 : memref<2x1024xi32, #tpu.memory_space<hbm>>) target_semaphore(%run_scoped3A : memref<!tpu.dma_semaphore, #tpu.memory_space<semaphore_mem>>)
      %dma_wait3A = arith.constant 0 : i32
      %dma_wait3A_13 = arith.constant 0 : i32
      %dma_wait3A_14 = tpu.memref_slice %arg4[%add3A, %dma_wait3A, %dma_wait3A_13] : memref<32x2x1024xi32, #tpu.memory_space<hbm>> -> memref<1x2x1024xi32, #tpu.memory_space<hbm>>
      %dma_wait3A_15 = tpu.memref_squeeze %dma_wait3A_14 : memref<1x2x1024xi32, #tpu.memory_space<hbm>> -> memref<2x1024xi32, #tpu.memory_space<hbm>>
      %dma_wait3A_16 = arith.constant 0 : i32
      %dma_wait3A_17 = arith.constant 0 : i32
      %dma_wait3A_18 = tpu.memref_slice %arg4[%add3A, %dma_wait3A_16, %dma_wait3A_17] : memref<32x2x1024xi32, #tpu.memory_space<hbm>> -> memref<1x2x1024xi32, #tpu.memory_space<hbm>>
      %dma_wait3A_19 = tpu.memref_squeeze %dma_wait3A_18 : memref<1x2x1024xi32, #tpu.memory_space<hbm>> -> memref<2x1024xi32, #tpu.memory_space<hbm>>
      tpu.wait_dma2 semaphore(%run_scoped3A : memref<!tpu.dma_semaphore, #tpu.memory_space<semaphore_mem>>) src(%arg7 : memref<2x1024xi32, #tpu.memory_space<vmem>>) dst(%dma_wait3A_19 : memref<2x1024xi32, #tpu.memory_space<hbm>>)
      tpu.yield
    }) : () -> ()
    return
  }
}

module attributes {stable_mosaic.version = 14 : i64} {
  func.func @_noisy_kernel(%arg0: i32, %arg1: memref<4096x768xf32, #tpu.memory_space<vmem>>, %arg2: memref<16x768xf32, #tpu.memory_space<vmem>>, %arg3: memref<16x1xf32, #tpu.memory_space<vmem>>, %arg4: memref<8x4096xf32, #tpu.memory_space<vmem>>, %arg5: memref<4x8x1024xf32, #tpu.memory_space<vmem>>) attributes {dimension_semantics = [#tpu.dimension_semantics<arbitrary>], iteration_bounds = array<i64: 8>, scalar_prefetch = 0 : i64, scratch_operands = 0 : i64, tpu.core_type = #tpu.core_type<tc>, window_params = [{transform_indices = @transform_0, window_bounds = array<i64: 4096, 768>}, {pipeline_mode = #tpu.pipeline_mode<synchronous>, transform_indices = @transform_1, window_bounds = array<i64: 16, 768>}, {pipeline_mode = #tpu.pipeline_mode<synchronous>, transform_indices = @transform_2, window_bounds = array<i64: 16, 1>}, {transform_indices = @transform_3, window_bounds = array<i64: 8, 4096>}, {transform_indices = @transform_4, window_bounds = array<i64: 4, 8, 1024>}]} {
    %get3A = arith.constant 0 : index
    %get3A_0 = arith.constant 0 : index
    %get3A_1 = vector.load %arg1[%get3A, %get3A_0] : memref<4096x768xf32, #tpu.memory_space<vmem>>, vector<4096x768xf32>
    %get3A_2 = arith.constant 0 : index
    %get3A_3 = arith.constant 0 : index
    %get3A_4 = vector.load %arg2[%get3A_2, %get3A_3] : memref<16x768xf32, #tpu.memory_space<vmem>>, vector<16x768xf32>
    %dot_general3A = arith.constant dense<0.000000e+00> : vector<16x4096xf32>
    %dot_general3A_5 = tpu.matmul %get3A_4, %get3A_1, %dot_general3A {dimension_numbers = #tpu.dot_dimension_numbers<[1], [1], [0], [0], [0, 0, 1, 0], [], []>, transpose_lhs_hint = false} : vector<16x768xf32>, vector<4096x768xf32>, vector<16x4096xf32> -> vector<16x4096xf32>
    %get3A_6 = arith.constant 0 : index
    %get3A_7 = arith.constant 0 : index
    %get3A_8 = vector.load %arg3[%get3A_6, %get3A_7] : memref<16x1xf32, #tpu.memory_space<vmem>>, vector<16x1xf32>
    %add3A = vector.broadcast %get3A_8 : vector<16x1xf32> to vector<16x4096xf32>
    %add3A_9 = arith.addf %dot_general3A_5, %add3A : vector<16x4096xf32>
    %slice3A = vector.extract_strided_slice %add3A_9 {offsets = [0, 0], sizes = [8, 4096], strides = [1, 1]} : vector<16x4096xf32> to vector<8x4096xf32>
    %get3A_10 = arith.constant 0 : index
    %get3A_11 = arith.constant 0 : index
    %get3A_12 = vector.load %arg4[%get3A_10, %get3A_11] : memref<8x4096xf32, #tpu.memory_space<vmem>>, vector<8x4096xf32>
    %slice3A_13 = vector.extract_strided_slice %add3A_9 {offsets = [8, 0], sizes = [8, 4096], strides = [1, 1]} : vector<16x4096xf32> to vector<8x4096xf32>
    %custom_jvp_call3A = arith.constant 0.000000e+00 : f32
    %max3A = vector.broadcast %custom_jvp_call3A : f32 to vector<8x4096xf32>
    %max3A_14 = arith.maximumf %slice3A_13, %max3A : vector<8x4096xf32>
    %sub3A = vector.broadcast %custom_jvp_call3A : f32 to vector<8x4096xf32>
    %sub3A_15 = arith.subf %slice3A_13, %sub3A : vector<8x4096xf32>
    %ne3A = arith.cmpf one, %sub3A_15, %sub3A_15 : vector<8x4096xf32>
    %add3A_16 = vector.broadcast %custom_jvp_call3A : f32 to vector<8x4096xf32>
    %add3A_17 = arith.addf %slice3A_13, %add3A_16 : vector<8x4096xf32>
    %abs3A = math.absf %sub3A_15 : vector<8x4096xf32>
    %neg3A = arith.constant 0.000000e+00 : f32
    %neg3A_18 = vector.broadcast %neg3A : f32 to vector<8x4096xf32>
    %neg3A_19 = arith.subf %neg3A_18, %abs3A : vector<8x4096xf32>
    %exp3A = math.exp %neg3A_19 : vector<8x4096xf32>
    %log1p3A = math.log1p %exp3A : vector<8x4096xf32>
    %add3A_20 = arith.addf %max3A_14, %log1p3A : vector<8x4096xf32>
    %select_n3A = arith.select %ne3A, %add3A_17, %add3A_20 : vector<8x4096xi1>, vector<8x4096xf32>
    %mul3A = arith.mulf %get3A_12, %select_n3A : vector<8x4096xf32>
    %add3A_21 = arith.addf %slice3A, %mul3A : vector<8x4096xf32>
    %slice3A_22 = vector.extract_strided_slice %add3A_21 {offsets = [0, 0], sizes = [8, 1024], strides = [1, 1]} : vector<8x4096xf32> to vector<8x1024xf32>
    %swap3A = arith.constant 0 : index
    %swap3A_23 = arith.constant 0 : index
    %swap3A_24 = arith.constant 0 : index
    %swap3A_25 = vector.load %arg5[%swap3A, %swap3A_23, %swap3A_24] : memref<4x8x1024xf32, #tpu.memory_space<vmem>>, vector<1x8x1024xf32>
    %swap3A_26 = vector.shape_cast %swap3A_25 : vector<1x8x1024xf32> to vector<8x1024xf32>
    %swap3A_27 = vector.shape_cast %slice3A_22 : vector<8x1024xf32> to vector<1x8x1024xf32>
    tpu.vector_store %arg5[%swap3A, %swap3A_23, %swap3A_24], %swap3A_27 {strides = array<i32>} : memref<4x8x1024xf32, #tpu.memory_space<vmem>>, vector<1x8x1024xf32>,
    %slice3A_28 = vector.extract_strided_slice %add3A_21 {offsets = [0, 1024], sizes = [8, 1024], strides = [1, 1]} : vector<8x4096xf32> to vector<8x1024xf32>
    %swap3A_29 = arith.constant 1 : index
    %swap3A_30 = arith.constant 0 : index
    %swap3A_31 = arith.constant 0 : index
    %swap3A_32 = vector.load %arg5[%swap3A_29, %swap3A_30, %swap3A_31] : memref<4x8x1024xf32, #tpu.memory_space<vmem>>, vector<1x8x1024xf32>
    %swap3A_33 = vector.shape_cast %swap3A_32 : vector<1x8x1024xf32> to vector<8x1024xf32>
    %swap3A_34 = vector.shape_cast %slice3A_28 : vector<8x1024xf32> to vector<1x8x1024xf32>
    tpu.vector_store %arg5[%swap3A_29, %swap3A_30, %swap3A_31], %swap3A_34 {strides = array<i32>} : memref<4x8x1024xf32, #tpu.memory_space<vmem>>, vector<1x8x1024xf32>,
    %slice3A_35 = vector.extract_strided_slice %add3A_21 {offsets = [0, 2048], sizes = [8, 1024], strides = [1, 1]} : vector<8x4096xf32> to vector<8x1024xf32>
    %swap3A_36 = arith.constant 2 : index
    %swap3A_37 = arith.constant 0 : index
    %swap3A_38 = arith.constant 0 : index
    %swap3A_39 = vector.load %arg5[%swap3A_36, %swap3A_37, %swap3A_38] : memref<4x8x1024xf32, #tpu.memory_space<vmem>>, vector<1x8x1024xf32>
    %swap3A_40 = vector.shape_cast %swap3A_39 : vector<1x8x1024xf32> to vector<8x1024xf32>
    %swap3A_41 = vector.shape_cast %slice3A_35 : vector<8x1024xf32> to vector<1x8x1024xf32>
    tpu.vector_store %arg5[%swap3A_36, %swap3A_37, %swap3A_38], %swap3A_41 {strides = array<i32>} : memref<4x8x1024xf32, #tpu.memory_space<vmem>>, vector<1x8x1024xf32>,
    %slice3A_42 = vector.extract_strided_slice %add3A_21 {offsets = [0, 3072], sizes = [8, 1024], strides = [1, 1]} : vector<8x4096xf32> to vector<8x1024xf32>
    %swap3A_43 = arith.constant 3 : index
    %swap3A_44 = arith.constant 0 : index
    %swap3A_45 = arith.constant 0 : index
    %swap3A_46 = vector.load %arg5[%swap3A_43, %swap3A_44, %swap3A_45] : memref<4x8x1024xf32, #tpu.memory_space<vmem>>, vector<1x8x1024xf32>
    %swap3A_47 = vector.shape_cast %swap3A_46 : vector<1x8x1024xf32> to vector<8x1024xf32>
    %swap3A_48 = vector.shape_cast %slice3A_42 : vector<8x1024xf32> to vector<1x8x1024xf32>
    tpu.vector_store %arg5[%swap3A_43, %swap3A_44, %swap3A_45], %swap3A_48 {strides = array<i32>} : memref<4x8x1024xf32, #tpu.memory_space<vmem>>, vector<1x8x1024xf32>,
    return
  }
  func.func @transform_0(%arg0: i32) -> (i32, i32) {
    %c0_i32 = arith.constant 0 : i32
    %c0_i32_0 = arith.constant 0 : i32
    return %arg0, %c0_i32 : i32, i32
  }
  func.func @transform_1(%arg0: i32) -> (i32, i32) {
    %c0_i32 = arith.constant 0 : i32
    %c0_i32_0 = arith.constant 0 : i32
    %c0_i32_1 = arith.constant 0 : i32
    return %c0_i32, %c0_i32_0 : i32, i32
  }
  func.func @transform_2(%arg0: i32) -> (i32, i32) {
    %c0_i32 = arith.constant 0 : i32
    %c0_i32_0 = arith.constant 0 : i32
    %c0_i32_1 = arith.constant 0 : i32
    return %c0_i32, %c0_i32_0 : i32, i32
  }
  func.func @transform_3(%arg0: i32) -> (i32, i32) {
    %c0_i32 = arith.constant 0 : i32
    %c0_i32_0 = arith.constant 0 : i32
    return %c0_i32, %arg0 : i32, i32
  }
  func.func @transform_4(%arg0: i32) -> (i32, i32, i32) {
    %c0_i32 = arith.constant 0 : i32
    %c0_i32_0 = arith.constant 0 : i32
    %c0_i32_1 = arith.constant 0 : i32
    return %arg0, %c0_i32, %c0_i32_0 : i32, i32, i32
  }
}

</mosaic_0001>

<sc_bundles>
// kernel: kernel.4.cloned.1.call-start
scs
__scs_entry_jumppad:
0x0: {  	(pc) =	sbr.rel $0x88, $3  }
0x1: {  	(tag) =	ssettag $0x0;
	lr =	simm.s32 $0x1  }
0x2: {  	[smem:$0x3F9C] =	sst lr;
	_ =	strace $0xD0000000  }
0x3: {  	_ = 	snop  }
0x4: {  	_ = 	snop  }
0x5: {  	_ = 	snop  }
0x6: {  	_ = 	snop  }
0x7: {  	_ = 	snop  }
__scs_overlays_trampoline_lowered:
0x8: {  	[smem:$0x3FAB] =	sst s0  }
0x9: {  	[smem:$0x3FAC] =	sst s1  }
0xa: {  	[smem:$0x3FAD] =	sst s2  }
0xb: {  	[smem:$0x3FAE] =	sst s3  }
0xc: {  	[smem:$0x3FAF] =	sst s4  }
0xd: {  	[smem:$0x3FB0] =	sst s5  }
0xe: {  	[smem:$0x3FB1] =	sst s6  }
0xf: {  	[smem:$0x3FB2] =	sst s7  }
0x10: {  	[smem:$0x3FB3] =	sst s8  }
0x11: {  	[smem:$0x3FB4] =	sst s9;
	s0 =	simm.s32 @!p0 $0x0  }
0x12: {  	s1 =	sld [smem:$0x3F9A];
	s0 =	simm.s32 @p0 $0x1  }
0x13: {  	[smem:$0x3FB5] =	sst s0;
	s0 =	simm.s32 @!p1 $0x0  }
0x14: {  	s2 =	sld [smem:$0x3F99];
	s0 =	simm.s32 @p1 $0x1  }
0x15: {  	[smem:$0x3FB6] =	sst s0;
	s0 =	simm.s32 @!p2 $0x0  }
0x16: {  	s3 =	sld [smem:$0x3FDB];
	s0 =	simm.s32 @p2 $0x1  }
0x17: {  	s4 =	simm.s32 $0x1BF5;
	[smem:$0x3FB8] =	sst s0  }
0x18: {  	s0 =	sld [smem:$0x3F9B];
	_ =	swait.ge [sflag:s4], $0x0  }
0x19: {  	s7 =	sld [smem:$0x3F9C]  }
0x1a: {  	s8 =	sadd.s32 $0xFFFFE003, lr  }
0x1b: {  	s9 =	sadd.s32 $0xFFFFFEF7, lr;
	s5 =	simm.s32 $0xFFFFFFFF;
	p2 =	slt.u32 s8, $0xFFFFF086  }
0x1c: {  	p1 =	slt.u32 s9, $0xF7A;
	s5 =	simm.s32 @!p2 $0x0  }
0x1d: {  	s5 =	simm.s32 @p1 $0x1;
	p0 =	seq.s32 s7, s2  }
0x1e: {  	s7 =	smul.u32 @!p0 $0xF7A, s2;
	p2 =	seq.s32 @!p0 s5, $0x0  }
0x1f: {  	s9 =	smul.u32 $0xF7A, s1;
	s8 =	simm.s32 @!p0 $0x1BF5;
	p2 =	por !p2, p0  }
0x20: {  	[sflag:s8] =	ssyncset.s32 @!p0 $0xFFFFF086;
	s6 =	sadd.s32 @!p0 s3, s7;
	s7 =	simm.s32 @!p0 $0x108  }
0x21: {  	s3 =	sadd.s32 s3, s9;
	s6 =	sadd.s32 @!p0 $0x88, s6;
	s7 =	simm.s32 @p2 $0x1082  }
0x22: {  	[simem:s7], [sflag:s8] =	dma.local @!p0 [hbm:s6], $0xF7A  }
0x23: {  	s9 =	sor.u32 $0xD0000000, s2;
	s6 =	simm.s32 $0x108;
	_ =	swait.ge @!p0 [sflag:s8], $0x0  }
0x24: {  	s3 =	sadd.s32 $0x88, s3;
	s6 =	simm.s32 @!p1 $0x1082;
	[sflag:s4] =	ssyncset.s32 $0xFFFFF086  }
0x25: {  	[simem:s6], [sflag:s4] =	dma.local [hbm:s3], $0xF7A  }
0x26: {  	[smem:$0x3F9C] =	sst s1;
	(tag) =	ssettag s2;
	_ =	strace s9  }
0x27: {  	s1 =	sld [smem:$0x3FAC]  }
0x28: {  	s2 =	sld [smem:$0x3FAD]  }
0x29: {  	s4 =	sld [smem:$0x3FAF]  }
0x2a: {  	p0 =	seq.s32 s5, $0x0;
	s5 =	sld [smem:$0x3FB0]  }
0x2b: {  	s6 =	sld [smem:$0x3FB1]  }
0x2c: {  	s7 =	sld [smem:$0x3FB2]  }
0x2d: {  	s3 =	simm.s32 $0x108;
	s8 =	sld [smem:$0x3FB3]  }
0x2e: {  	s3 =	simm.s32 @!p0 $0x1082;
	s9 =	sld [smem:$0x3FB4]  }
0x2f: {  	lr =	sadd.s32 s0, s3;
	s0 =	sld [smem:$0x3FAB]  }
0x30: {  	s3 =	sld [smem:$0x3FAE]  }
0x31: {  	[smem:$0x3FB7] =	sst s10  }
0x32: {  	s10 =	sld [smem:$0x3FB5];
	_ =	sdelay $0x3  }
0x33: {  	p0 =	seq.s32 s10, $0x1;
	s10 =	sld [smem:$0x3FB7];
	_ =	sdelay $0x3  }
0x34: {  	[smem:$0x3FB7] =	sst s10  }
0x35: {  	s10 =	sld [smem:$0x3FB6];
	_ =	sdelay $0x3  }
0x36: {  	p1 =	seq.s32 s10, $0x1;
	s10 =	sld [smem:$0x3FB7];
	_ =	sdelay $0x3  }
0x37: {  	[smem:$0x3FB7] =	sst s10  }
0x38: {  	s10 =	sld [smem:$0x3FB8]  }
0x39: {  	_ = 	snop;
	(pc) =	sbr.ind lr, $3  }
0x3a: {  	_ = 	snop  }
0x3b: {  	_ = 	snop  }
0x3c: {  	p2 =	seq.s32 s10, $0x1;
	s10 =	sld [smem:$0x3FB7]  }
0x3d: {  	_ =	shalt  }
0x3e: {  	_ =	shalt  }
0x3f: {  	_ =	shalt  }
0x40: {  	_ =	shalt  }
0x41: {  	_ =	shalt  }
0x42: {  	_ =	shalt  }
0x43: {  	_ =	shalt  }
0x44: {  	_ =	shalt  }
0x45: {  	_ =	shalt  }
0x46: {  	_ =	shalt  }
0x47: {  	_ =	shalt  }
0x48: {  	_ =	shalt  }
0x49: {  	_ =	shalt  }
0x4a: {  	_ =	shalt  }
0x4b: {  	_ =	shalt  }
0x4c: {  	_ =	shalt  }
0x4d: {  	_ =	shalt  }
0x4e: {  	_ =	shalt  }
0x4f: {  	_ =	shalt  }
0x50: {  	_ =	shalt  }
0x51: {  	_ =	shalt  }
0x52: {  	_ =	shalt  }
0x53: {  	_ =	shalt  }
0x54: {  	_ =	shalt  }
0x55: {  	_ =	shalt  }
0x56: {  	_ =	shalt  }
0x57: {  	_ =	shalt  }
0x58: {  	_ =	shalt  }
0x59: {  	_ =	shalt  }
0x5a: {  	_ =	shalt  }
0x5b: {  	_ =	shalt  }
0x5c: {  	_ =	shalt  }
0x5d: {  	_ =	shalt  }
0x5e: {  	_ =	shalt  }
0x5f: {  	_ =	shalt  }
0x60: {  	_ =	shalt  }
0x61: {  	_ =	shalt  }
0x62: {  	_ =	shalt  }
0x63: {  	_ =	shalt  }
0x64: {  	_ =	shalt  }
0x65: {  	_ =	shalt  }
0x66: {  	_ =	shalt  }
0x67: {  	_ =	shalt  }
0x68: {  	_ =	shalt  }
0x69: {  	_ =	shalt  }
0x6a: {  	_ =	shalt  }
0x6b: {  	_ =	shalt  }
0x6c: {  	_ =	shalt  }
0x6d: {  	_ =	shalt  }
0x6e: {  	_ =	shalt  }
0x6f: {  	_ =	shalt  }
0x70: {  	_ =	shalt  }
0x71: {  	_ =	shalt  }
0x72: {  	_ =	shalt  }
0x73: {  	_ =	shalt  }
0x74: {  	_ =	shalt  }
0x75: {  	_ =	shalt  }
0x76: {  	_ =	shalt  }
0x77: {  	_ =	shalt  }
0x78: {  	_ =	shalt  }
0x79: {  	_ =	shalt  }
0x7a: {  	_ =	shalt  }
0x7b: {  	_ =	shalt  }
0x7c: {  	_ =	shalt  }
0x7d: {  	_ =	shalt  }
0x7e: {  	_ =	shalt  }
0x7f: {  	_ =	shalt  }
0x80: {  	_ =	shalt  }
0x81: {  	_ =	shalt  }
0x82: {  	_ =	shalt  }
0x83: {  	_ =	shalt  }
0x84: {  	_ =	shalt  }
0x85: {  	_ =	shalt  }
0x86: {  	_ =	shalt  }
0x87: {  	_ =	shalt  }
.Lfunc_end0:
.L_simem_size_0:
called_computation_lowered:
.L_overlay_start_0:
0x88: {  	s2 =	sld [smem:$0x3FD9]  }
0x89: {  	s3 =	sld [smem:$0x3FFE];
	_ =	sdelay $0x1  }
0x8a: {  	s1 =	srdreg.scid  }
0x8b: {  	s0 =	sand.u32 $0x1, s1  }
0x8c: {  	s14 =	sshll.u32 s0, $0xA;
	s2 =	sadd.s32 s3, s2  }
0x8d: {  	s2 =	sadd.s32 s2, s14  }
0x8e: {  	[smem:$0x3FC3] =	sst s2  }
0x8f: {  	_ = 	snop  }
0x90: {  	s2 =	sld [smem:$0x3FD0];
	_ =	sdelay $0x2  }
0x91: {  	s15 =	simm.s32 $0xA;
	s4 =	simm.s32 $0x10  }
0x92: {  	[smem:s4], [sflag:s15] =	dma.local [hbm:s2], $0x1  }
0x93: {  	_ =	swait.eq [sflag:s15], $0x1  }
0x94: {  	[sflag:s15] =	ssyncset.done $0x0  }
0x95: {  	s16 =	sld [smem:$0x10];
	[sflag:s15] =	ssyncadd.s32 $0xFFFFFFFF  }
0x96: {  	s17 =	sld [smem:$0x11];
	(tm) =	ssettm $0x1  }
0x97: {  	s18 =	sld [smem:$0x3FFB];
	_ =	sdelay $0x3  }
0x98: {  	_ =	strace s18  }
0x99: {  	s4 =	sld [smem:$0x3FFC];
	_ =	sdelay $0x3  }
0x9a: {  	_ =	strace s4  }
0x9b: {  	s4 =	sld [smem:$0x3FFD];
	_ =	sdelay $0x3  }
0x9c: {  	_ =	strace s4  }
0x9d: {  	_ =	strace $0x8FFFFFFF  }
0x9e: {  	s19 =	sld [smem:$0x3FDB];
	_ =	sdelay $0x1  }
0x9f: {  	s5 =	simm.s32 $_scs_section_size  }
0xa0: {  	s6 =	simm.s32 $_size__tile_overlayer_lowered;
	s7 =	simm.s32 $_tile_overlayer_lowered  }
0xa1: {  	s22 =	simm.s32 $0x1BFF;
	s21 =	sshll.u32 s7, $0x1;
	s4 =	sadd.s32 s5, s19  }
0xa2: {  	s8 =	simm.s32 $0x0;
	s20 =	sshll.u32 s6, $0x1;
	s6 =	sadd.s32 s21, s4  }
0xa3: {  	[timem:s8], [sflag:s22] =	dma.local [hbm:s6], s20  }
0xa4: {  	_ =	swait.ge [sflag:s22], s20  }
0xa5: {  	s5 =	ssub.s32 $0x0, s20;
	[sflag:s22] =	ssyncset.done $0x0  }
0xa6: {  	[sflag:s22] =	ssyncadd.s32 s5;
	_ =	sdelay $0x1  }
0xa7: {  	s23 =	simm.s32 $0x1B8B  }
0xa8: {  	_ =	swait.ge [sflag:s23], $0x1  }
0xa9: {  	[sflag:s23] =	ssyncset.done $0x0  }
0xaa: {  	s25 =	simm.s32 $0x1B8E;
	s24 =	sld [smem:$0x3FFE];
	[sflag:s23] =	ssyncadd.s32 $0xFFFFFFFF  }
0xab: {  	s26 =	simm.s32 $execute0_lowered;
	[smem:$0x3FD2] =	sst s25  }
0xac: {  	s6 =	sshll.u32 s26, $0x1;
	_ =	strace $0x80000046;
	[dreg:$0x1] =	wrdreg $0xFFFFFFFF  }
0xad: {  	s28 =	simm.s32 $_size_execute0_lowered;
	s4 =	sadd.s32 s4, s6;
	[dreg:$0x0] =	wrdreg $0x0  }
0xae: {  	s6 =	sshll.u32 s28, $0x1;
	[dreg:$0x2] =	wrdreg s4  }
0xaf: {  	[dreg:$0x3] =	wrdreg s6  }
0xb0: {  	[dreg:$0x4] =	wrdreg $0xC0  }
0xb1: {  	_ =	task [dreg:s8], $0x5FFFF  }
0xb2: {  	[dreg:$0x1] =	wrdreg $0xFFFFFFFF  }
0xb3: {  	[dreg:$0x0] =	wrdreg $0x60  }
0xb4: {  	[dreg:$0x2] =	wrdreg s24  }
0xb5: {  	[dreg:$0x3] =	wrdreg s16  }
0xb6: {  	[dreg:$0x4] =	wrdreg s17  }
0xb7: {  	[dreg:$0x5] =	wrdreg $0x9  }
0xb8: {  	_ =	task.clear_ibuf [dreg:s8], $0x6FFFF;
	_ =	strace $0x90000046  }
0xb9: {  	s29 =	simm.s32 $0x9;
	_ =	strace $0x80000048  }
0xba: {  	_ =	swait.ge [sflag:s29], $0x1  }
0xbb: {  	[sflag:s29] =	ssyncadd.s32 $0xFFFFFFFF  }
0xbc: {  	_ =	strace $0x90000048  }
0xbd: {  	_ =	sfence  }
0xbe: {  	s30 =	sld [smem:$0x0];
	_ =	sdelay $0x2  }
0xbf: {  	s31 =	sshll.u32 s1, $0xD;
	s1 =	sshrl.u32 s1, $0x2  }
0xc0: {  	s3 =	sand.u32 $0x4000, s31;
	s1 =	sadd.s32 s1, s30  }
0xc1: {  	s0 =	sor.u32 s3, s0;
	s1 =	sshll.u32 s1, $0x11  }
0xc2: {  	s0 =	sor.u32 s1, s0  }
0xc3: {  	s0 =	sadd.s32 $0x8F2B, s0  }
0xc4: {  	[sflag:s0] =	ssyncadd.remote.s32 $0x1  }
0xc5: {  	_ =	sfence.sel $0xFFFF  }
0xc6: {  	[dreg:$0x0] =	wrdreg $0xFFFFFFFF;
	(pc) =	sbr.abs _section_cstart, $3  }
0xc7: {  	[dreg:$0x1] =	wrdreg $0xFFFFFFFF  }
0xc8: {  	_ =	task.clear_ibuf [dreg:s8], $0x2FFFF;
	_ =	strace $0x9FFFFFFF  }
0xc9: {  	(tm) =	ssettm $0x7FFFFFFF  }
tec
execute0_lowered:
.L_overlay_start_1:
0x0: {  	(tag) =	ssettag $0x1  }
0x1: {  	s3 =	rddreg [dreg:$0x0]  }
0x2: {  	s4 =	rddreg [dreg:$0x1]  }
0x3: {  	s5 =	rddreg [dreg:$0x2]  }
0x4: {  	s2 =	srdreg.scid;
	s1 =	stileid.u32  }
0x5: {  	s0 =	rddreg [dreg:$0x3];
	s6 =	sand.u32 $0x1, s2;
	s7 =	sshll.u32 s1, $0x1  }
0x6: {  	s10 =	simm.s32 $0x0;
	s2 =	simm.s32 $0x0;
	s7 =	sor.u32 s6, s7  }
0x7: {  	s6 =	ssub.s32 $0x2, s6;
	[smem:$0x7FF] =	sst s2;
	s8 =	sshll.u32 s7, $0xA  }
0x8: {  	s9 =	sshrl.u32 s6, $0x1;
	_ =	strace $0x80000047;
	s7 =	sshll.u32 s7, $0x8  }
0x9: {  	s3 =	sadd.s32 s8, s3;
	s6 =	ssub.s32 s6, s9;
	s4 =	sadd.s32 s4, s8  }
0xa: {  	s5 =	sadd.s32 s5, s7;
	s7 =	simm.s32 $0x1;
	s8 =	simm.s32 $0x2000  }
0xb: {  	v0 =	vimm.s32 $0x0;
	s9 =	simm.s32 $0x4000;
	s3 =	sadd.s32 $0xC00, s3;
	s6 =	smax.u32 s6, $0x1  }
.LBB2_1:
0xc: {  	[tilespmem:s2], [sflag:$0x1] =	stream.linear.gather [hbm4b:s3+s2], $0x2000, $0x38;
	[tilespmem:$0x4800] =	vst v63  }
0xd: {  	_ =	swait.ge [sflag:s7], $0x2000  }
0xe: {  	s11 =	sand.u32 $0x70, s2;
	s14 =	sand.u32 $0x7FFFFC00, s2;
	[sflag:s7] =	ssyncset.done $0x0  }
0xf: {  	s12 =	sor.u32 s11, s14;
	[sflag:s7] =	ssyncadd.s32 $0xFFFFE000  }
0x10: {  	v2 =	vld [tilespmem:s12+$0x0]  }
0x11: {  	v3 =	vld [tilespmem:s12+$0x80];
	_ =	sdelay $0x1  }
0x12: {  	v4 =	vld [tilespmem:s12+$0x100];
	_ =	sdelay $0x1  }
0x13: {  	v5 =	vld [tilespmem:s12+$0x180]  }
0x14: {  	vm0 =	vgt.f32 v3, v2  }
0x15: {  	v6 =	vld [tilespmem:s12+$0x200];
	v1 =	vsel vm0, v3, v2  }
0x16: {  	vm1 =	vgt.f32 v4, v1  }
0x17: {  	v7 =	vld [tilespmem:s12+$0x280];
	v1 =	vsel vm1, v4, v1  }
0x18: {  	vm2 =	vgt.f32 v5, v1  }
0x19: {  	s13 =	sor.u32 s2, s2;
	v8 =	vld [tilespmem:s12+$0x300];
	v1 =	vsel vm2, v5, v1  }
0x1a: {  	s13 =	sor.u32 $0x380, s13;
	vm3 =	vgt.f32 v6, v1  }
0x1b: {  	v9 =	vld [tilespmem:s13+$0x0];
	v1 =	vsel vm3, v6, v1  }
0x1c: {  	v10 =	vsel vm0, $0x1, v0;
	vm0 =	vgt.f32 v7, v1  }
0x1d: {  	v10 =	vsel vm1, $0x2, v10;
	v1 =	vsel vm0, v7, v1  }
0x1e: {  	v10 =	vsel vm2, $0x3, v10;
	vm1 =	vgt.f32 v8, v1  }
0x1f: {  	v10 =	vsel vm3, $0x4, v10;
	v11 =	vsel vm1, v8, v1  }
0x20: {  	v1 =	vsel vm0, $0x5, v10;
	vm0 =	vgt.f32 v9, v11  }
0x21: {  	v1 =	vsel vm1, $0x6, v1;
	vm0 =	vmneg vm0  }
0x22: {  	vm2 =	vlt.f32 v2, $-Inf;
	vm3 =	vgt.f32 v2, $-Inf;
	v1 =	vnsel vm0, $0x7, v1  }
0x23: {  	vm2 =	vmor vm3, vm2;
	vm3 =	vne.s32 v1, $0x0  }
0x24: {  	vm2 =	vmand vm2, vm3  }
0x25: {  	v2 =	vnsel vm2, $0xFF800000, v2  }
0x26: {  	vm2 =	vne.s32 v1, $0x1;
	vm3 =	vgt.f32 v3, v2  }
0x27: {  	vm2 =	vmand vm2, vm3  }
0x28: {  	v2 =	vsel vm2, v3, v2  }
0x29: {  	vm3 =	vne.s32 v1, $0x2;
	vm4 =	vgt.f32 v4, v2  }
0x2a: {  	vm4 =	vmand vm3, vm4  }
0x2b: {  	v2 =	vsel vm4, v4, v2  }
0x2c: {  	vm3 =	vne.s32 v1, $0x3;
	vm5 =	vgt.f32 v5, v2  }
0x2d: {  	vm5 =	vmand vm3, vm5  }
0x2e: {  	v2 =	vsel vm5, v5, v2  }
0x2f: {  	vm3 =	vne.s32 v1, $0x4;
	vm6 =	vgt.f32 v6, v2  }
0x30: {  	vm6 =	vmand vm3, vm6  }
0x31: {  	v2 =	vsel vm6, v6, v2  }
0x32: {  	vm3 =	vne.s32 v1, $0x5;
	vm7 =	vgt.f32 v7, v2  }
0x33: {  	vm7 =	vmand vm3, vm7  }
0x34: {  	v2 =	vsel vm7, v7, v2  }
0x35: {  	vm3 =	vgt.f32 v8, v2  }
0x36: {  	vm8 =	vmneg vm3;
	vm3 =	vmand vm1, vm0  }
0x37: {  	vm9 =	vmor vm3, vm8  }
0x38: {  	v2 =	vsel vm9, v2, v8  }
0x39: {  	vm1 =	vgt.f32 v9, v2  }
0x3a: {  	vm8 =	vmand vm0, vm1  }
0x3b: {  	v3 =	vsel vm0, v11, v9;
	v2 =	vsel vm8, v9, v2  }
0x3c: {  	v2 =	vsub.f32 v2, v3;
	_ =	sdelay $0x1  }
0x3d: {  	v2 =	vmul.f32 $1.442695020e+00, v2;
	_ =	sdelay $0x1  }
0x3e: {  	(erf) = vpow2.f32 v2;
	_ =	sdelay $0x8  }
0x3f: {  	v4 =	vpop (erf)  }
0x40: {  	v2 =	vadd.f32 $1.000000000e+00, v4;
	_ =	sdelay $0x1  }
0x41: {  	(erf) = vrcp.f32 v2;
	_ =	sdelay $0x2  }
0x42: {  	v2 =	vsel vm2, $0x1, v0  }
0x43: {  	v2 =	vsel vm4, $0x2, v2  }
0x44: {  	v2 =	vsel vm5, $0x3, v2  }
0x45: {  	vm10 =	veq.s32 v1, $0x0;
	v2 =	vsel vm6, $0x4, v2  }
0x46: {  	vm11 =	veq.s32 v1, $0x3;
	vm1 =	veq.s32 v1, $0x4;
	v2 =	vsel vm7, $0x5, v2  }
0x47: {  	vm2 =	veq.s32 v1, $0x5;
	vm4 =	vmor vm8, vm9;
	v2 =	vnsel vm9, $0x6, v2  }
0x48: {  	vm5 =	veq.s32 v1, $0x2;
	vm9 =	veq.s32 v1, $0x1;
	v2 =	vsel vm8, $0x7, v2;
	v3 =	vpop (erf)  }
0x49: {  	vm7 =	veq.s32 v2, $0x0;
	vm6 =	veq.s32 v2, $0x5;
	v4 =	vmul.f32 v3, v4  }
0x4a: {  	vm12 =	veq.s32 v2, $0x1;
	vm13 =	veq.s32 v2, $0x2;
	vm14 =	veq.s32 v2, $0x3  }
0x4b: {  	v5 =	vnsel vm7, $0x0, v4;
	v6 =	vnsel vm12, $0x0, v4;
	vm7 =	veq.s32 v2, $0x4  }
0x4c: {  	v8 =	vnsel vm14, $0x0, v4;
	v7 =	vsel vm10, v3, v5;
	v5 =	vnsel vm8, $0x0, v4  }
0x4d: {  	s15 =	simm.s32 $0x80;
	s16 =	simm.s32 $0x0;
	s14 =	sshrl.u32 s14, $0x2;
	v6 =	vsel vm9, v3, v6;
	v8 =	vsel vm11, v3, v8;
	[tilespmem:s12+$0x2000] =	vst v7;
	v7 =	vnsel vm13, $0x0, v4  }
.LBB2_2:
0x4e: {  	p0 =	sne.s32 s15, $0x1F80  }
0x4f: {  	v7 =	vsel vm5, v3, v7;
	[tilespmem:s12+$0x2180] =	vst v8;
	v8 =	vnsel vm7, $0x0, v4;
	v9 =	vnsel vm6, $0x0, v4;
	s16 =	sadd.s32 $0x10, s16;
	s17 =	smov.u32 s15;
	s15 =	sadd.s32 $0x80, s15  }
0x50: {  	v4 =	vsel vm4, $0x0, v4;
	[tilespmem:s12+$0x2080] =	vst v6;
	v6 =	vsel vm1, v3, v8;
	v8 =	vsel vm2, v3, v9  }
0x51: {  	v4 =	vsel vm3, v3, v4;
	v3 =	vsel vm0, v5, v3;
	[tilespmem:s12+$0x2100] =	vst v7  }
0x52: {  	[tilespmem:s12+$0x2300] =	vst v4  }
0x53: {  	[tilespmem:s12+$0x2280] =	vst v8  }
0x54: {  	[tilespmem:s12+$0x2200] =	vst v6  }
0x55: {  	[tilespmem:s13+$0x2000] =	vst v3;
	s13 =	sor.u32 s11, s14  }
0x56: {  	s11 =	sand.u32 $0x70, s16;
	s14 =	sand.u32 $0x7FFFFC00, s17;
	[tilespmem:s13+$0x4000] =	vst v1  }
0x57: {  	s12 =	sor.u32 s11, s14;
	s14 =	sshrl.u32 s14, $0x2;
	[tilespmem:s13+$0x4080] =	vst v2  }
0x58: {  	v2 =	vld [tilespmem:s12+$0x0]  }
0x59: {  	v3 =	vld [tilespmem:s12+$0x80];
	_ =	sdelay $0x1  }
0x5a: {  	v4 =	vld [tilespmem:s12+$0x100];
	_ =	sdelay $0x1  }
0x5b: {  	v5 =	vld [tilespmem:s12+$0x180];
	vm0 =	vlt.f32 v2, $-Inf;
	vm1 =	vgt.f32 v2, $-Inf  }
0x5c: {  	vm2 =	vgt.f32 v3, v2;
	vm4 =	vmor vm1, vm0  }
0x5d: {  	v6 =	vld [tilespmem:s12+$0x200];
	v1 =	vsel vm2, v3, v2  }
0x5e: {  	vm0 =	vgt.f32 v4, v1  }
0x5f: {  	v7 =	vld [tilespmem:s12+$0x280];
	v1 =	vsel vm0, v4, v1  }
0x60: {  	vm1 =	vgt.f32 v5, v1  }
0x61: {  	s13 =	sor.u32 s17, s16;
	v8 =	vld [tilespmem:s12+$0x300];
	v1 =	vsel vm1, v5, v1  }
0x62: {  	s13 =	sor.u32 $0x380, s13;
	vm3 =	vgt.f32 v6, v1  }
0x63: {  	v10 =	vsel vm2, $0x1, v0;
	v9 =	vld [tilespmem:s13+$0x0];
	v1 =	vsel vm3, v6, v1  }
0x64: {  	v10 =	vsel vm0, $0x2, v10;
	vm0 =	vgt.f32 v7, v1  }
0x65: {  	v10 =	vsel vm1, $0x3, v10;
	v1 =	vsel vm0, v7, v1  }
0x66: {  	v10 =	vsel vm3, $0x4, v10;
	vm3 =	vgt.f32 v8, v1  }
0x67: {  	v10 =	vsel vm0, $0x5, v10;
	v1 =	vsel vm3, v8, v1  }
0x68: {  	v10 =	vsel vm3, $0x6, v10;
	vm0 =	vgt.f32 v9, v1  }
0x69: {  	vm0 =	vmneg vm0  }
0x6a: {  	v11 =	vsel vm0, v1, v9;
	v1 =	vnsel vm0, $0x7, v10  }
0x6b: {  	vm5 =	vne.s32 v1, $0x0;
	vm1 =	veq.s32 v1, $0x4;
	vm2 =	veq.s32 v1, $0x5  }
0x6c: {  	vm4 =	vmand vm4, vm5  }
0x6d: {  	v2 =	vnsel vm4, $0xFF800000, v2;
	vm4 =	vne.s32 v1, $0x1  }
0x6e: {  	vm5 =	vgt.f32 v3, v2  }
0x6f: {  	vm5 =	vmand vm4, vm5  }
0x70: {  	vm4 =	vne.s32 v1, $0x2;
	v2 =	vsel vm5, v3, v2  }
0x71: {  	vm6 =	vgt.f32 v4, v2  }
0x72: {  	vm6 =	vmand vm4, vm6  }
0x73: {  	vm4 =	vne.s32 v1, $0x3;
	v2 =	vsel vm6, v4, v2  }
0x74: {  	vm7 =	vgt.f32 v5, v2  }
0x75: {  	vm7 =	vmand vm4, vm7  }
0x76: {  	vm4 =	vne.s32 v1, $0x4;
	v2 =	vsel vm7, v5, v2  }
0x77: {  	vm8 =	vgt.f32 v6, v2  }
0x78: {  	vm9 =	vmand vm4, vm8  }
0x79: {  	vm4 =	vne.s32 v1, $0x5;
	v2 =	vsel vm9, v6, v2  }
0x7a: {  	vm8 =	vgt.f32 v7, v2  }
0x7b: {  	vm10 =	vmand vm4, vm8  }
0x7c: {  	v2 =	vsel vm10, v7, v2  }
0x7d: {  	vm4 =	vgt.f32 v8, v2  }
0x7e: {  	vm3 =	vmand vm3, vm0;
	vm4 =	vmneg vm4  }
0x7f: {  	vm11 =	vmor vm3, vm4  }
0x80: {  	v2 =	vsel vm11, v2, v8  }
0x81: {  	vm4 =	vgt.f32 v9, v2  }
0x82: {  	vm8 =	vmand vm0, vm4  }
0x83: {  	v2 =	vsel vm8, v9, v2;
	vm4 =	vmor vm8, vm11  }
0x84: {  	v2 =	vsub.f32 v2, v11;
	_ =	sdelay $0x1  }
0x85: {  	v2 =	vmul.f32 $1.442695020e+00, v2;
	_ =	sdelay $0x1  }
0x86: {  	(erf) = vpow2.f32 v2;
	_ =	sdelay $0x8  }
0x87: {  	v4 =	vpop (erf)  }
0x88: {  	v2 =	vadd.f32 $1.000000000e+00, v4;
	_ =	sdelay $0x1  }
0x89: {  	(erf) = vrcp.f32 v2;
	_ =	sdelay $0x2  }
0x8a: {  	v2 =	vsel vm5, $0x1, v0  }
0x8b: {  	v2 =	vsel vm6, $0x2, v2  }
0x8c: {  	v2 =	vsel vm7, $0x3, v2  }
0x8d: {  	v2 =	vsel vm9, $0x4, v2  }
0x8e: {  	v2 =	vsel vm10, $0x5, v2  }
0x8f: {  	vm5 =	veq.s32 v1, $0x2;
	vm9 =	veq.s32 v1, $0x1;
	v2 =	vnsel vm11, $0x6, v2  }
0x90: {  	vm10 =	veq.s32 v1, $0x0;
	vm11 =	veq.s32 v1, $0x3;
	v2 =	vsel vm8, $0x7, v2;
	v3 =	vpop (erf)  }
.Ltmp0:
0x91: {  	vm7 =	veq.s32 v2, $0x0;
	vm6 =	veq.s32 v2, $0x5;
	v4 =	vmul.f32 v3, v4;
	(pc) =	sbr.rel @p0 .LBB2_2-.Ltmp0, $4  }
0x92: {  	vm12 =	veq.s32 v2, $0x1;
	vm13 =	veq.s32 v2, $0x2;
	vm14 =	veq.s32 v2, $0x3  }
0x93: {  	v5 =	vnsel vm7, $0x0, v4;
	v6 =	vnsel vm12, $0x0, v4;
	vm7 =	veq.s32 v2, $0x4  }
0x94: {  	v8 =	vnsel vm14, $0x0, v4;
	v7 =	vsel vm10, v3, v5;
	v5 =	vnsel vm8, $0x0, v4  }
0x95: {  	v6 =	vsel vm9, v3, v6;
	v8 =	vsel vm11, v3, v8;
	[tilespmem:s12+$0x2000] =	vst v7;
	v7 =	vnsel vm13, $0x0, v4  }
0x96: {  	[tilespmem:s12+$0x2180] =	vst v8  }
0x97: {  	v7 =	vsel vm5, v3, v7;
	[tilespmem:s12+$0x2080] =	vst v6;
	v60 =	vsel vm4, $0x0, v4  }
0x98: {  	v61 =	vnsel vm6, $0x0, v4;
	[tilespmem:s12+$0x2100] =	vst v7;
	v6 =	vsel vm3, v3, v60  }
0x99: {  	v62 =	vnsel vm7, $0x0, v4;
	v63 =	vsel vm2, v3, v61;
	[tilespmem:s12+$0x2300] =	vst v6  }
0x9a: {  	v4 =	vsel vm1, v3, v62;
	[tilespmem:s12+$0x2280] =	vst v63  }
0x9b: {  	v3 =	vsel vm0, v5, v3;
	[tilespmem:s12+$0x2200] =	vst v4  }
0x9c: {  	s11 =	sor.u32 s11, s14;
	[tilespmem:s13+$0x2000] =	vst v3  }
0x9d: {  	[tilespmem:s11+$0x4000] =	vst v1  }
0x9e: {  	[tilespmem:s11+$0x4080] =	vst v2  }
0x9f: {  	[hbm4b:s4+s2] =	stream.linear.scatter [tilespmem:s8], [sflag:$0x1], $0x2000, $0x38;
	[tilespmem:$0x4800] =	vst v63  }
0xa0: {  	s10 =	sadd.s32 $0x1, s10;
	_ =	swait.ge [sflag:s7], $0x2000  }
0xa1: {  	p0 =	sne.s32 s10, s6;
	[sflag:s7] =	ssyncset.done $0x0  }
.Ltmp1:
0xa2: {  	[sflag:s7] =	ssyncadd.s32 $0xFFFFE000;
	(pc) =	sbr.rel @p0 .LBB2_1-.Ltmp1, $4  }
0xa3: {  	[hbm4b:s5+s2] =	stream.linear.scatter [tilespmem:s9], [sflag:$0x1], $0x800, $0x38;
	[tilespmem:$0x4800] =	vst v63  }
0xa4: {  	_ =	swait.ge [sflag:s7], $0x800  }
0xa5: {  	[sflag:s7] =	ssyncset.done $0x0  }
0xa6: {  	[sflag:s7] =	ssyncadd.s32 $0xFFFFF800  }
0xa7: {  	_ =	sfence.sel $0x180000  }
0xa8: {  	[bflag:$0x0] =	sbarrier.arrive $0xFFFF  }
0xa9: {  	p0 =	sne.s32 s1, $0x0;
	_ =	strace $0x90000047  }
0xaa: {  	s0 =	sadd.s32 @!p0 $0x100000, s0;
	[bflag:$0x2] =	sbarrier.arrive $0xFFFF  }
0xab: {  	[sflag:s0] =	ssyncadd.tile.s32 @!p0 $0x1;
	_ =	shalt  }
.Lfunc_end2:
_tile_overlayer_lowered:
.L_overlay_start_2:
0xac: {  	(tag) =	ssettag $0x2  }
0xad: {  	s0 =	rddreg [dreg:$0x0];
	s2 =	stileid.u32  }
0xae: {  	s1 =	rddreg [dreg:$0x1];
	p0 =	sne.s32 s2, $0x0  }
0xaf: {  	s3 =	rddreg [dreg:$0x2];
	[bflag:$0x3] =	sbarrier.arrive $0xFFFF;
	s2 =	simm.s32 @!p0 $0x1C01  }
0xb0: {  	[timem:s3], [sflag:s2] =	dma.local @!p0 [hbm:s0], s1  }
0xb1: {  	s0 =	simm.s32 @!p0 $0x1  }
0xb2: {  	_ =	swait.ge @!p0 [sflag:s0], s1  }
0xb3: {  	s1 =	ssub.s32 @!p0 $0x0, s1;
	[sflag:s0] =	ssyncset.done @!p0 $0x0  }
0xb4: {  	[sflag:s0] =	ssyncadd.s32 @!p0 s1  }
0xb5: {  	[bflag:$0x3] =	sbarrier.arrive $0xFFFF  }
0xb6: {  	_ =	shalt  }

</sc_bundles>
